<compile_context>
chip_gen: v7x
topology: tpu7x:2x2x1
jax: 0.10.2.dev20260603
libtpu: 0.0.44.dev20260713+nightly
codegen_flags: <defaults>
</compile_context>

<pallas_src>
import functools

import jax
import jax.numpy as jnp
from jax import lax
from jax.experimental import pallas as pl
from jax.experimental.pallas import tpu as pltpu
from jax.experimental.pallas import tpu_sc as plsc

_VOCAB = 1000
_NW = 32
_CHUNK = 64


def _head_table_body(e_ref, w_ref, p_ref):
    p_ref[...] = lax.dot_general(
        e_ref[...], w_ref[...],
        dimension_numbers=(((1,), (1,)), ((), ())),
        preferred_element_type=jnp.float32)


def _head_table(embed_table, head_w_padded):
    v = embed_table.shape[0]
    vp = head_w_padded.shape[0]
    return pl.pallas_call(
        _head_table_body,
        out_shape=jax.ShapeDtypeStruct((v, vp), jnp.float32),
    )(embed_table, head_w_padded)


@functools.partial(jax.jit, static_argnums=(2,))
def _gather_rows(ids, p, n_tokens):
    per_w = n_tokens // _NW
    n_chunks = per_w // _CHUNK
    vp = p.shape[1]
    mesh = plsc.VectorSubcoreMesh(core_axis_name="c", subcore_axis_name="s")

    @functools.partial(
        pl.kernel,
        out_type=jax.ShapeDtypeStruct((n_tokens, _VOCAB), jnp.float32),
        mesh=mesh,
        compiler_params=pltpu.CompilerParams(use_tc_tiling_on_sc=False),
        scratch_types=[
            pltpu.VMEM((per_w,), jnp.int32),
            pltpu.VMEM((_CHUNK, vp), jnp.float32),
            pltpu.VMEM((_CHUNK, vp), jnp.float32),
            pltpu.SemaphoreType.DMA,
            pltpu.SemaphoreType.DMA,
            pltpu.SemaphoreType.DMA,
            pltpu.SemaphoreType.DMA,
        ],
    )
    def gather(ids_hbm, p_hbm, out_hbm, idx_v, rows0, rows1,
               sg0, sg1, sw0, sw1):
        wid = lax.axis_index("s") * 2 + lax.axis_index("c")
        base = wid * per_w
        pltpu.sync_copy(ids_hbm.at[pl.ds(base, per_w)], idx_v)
        bufs = (rows0, rows1)
        gsems = (sg0, sg1)
        wsems = (sw0, sw1)

        def start_gather(c, b):
            off = pl.multiple_of(c * _CHUNK, _CHUNK)
            pltpu.async_copy(
                p_hbm.at[idx_v.at[pl.ds(off, _CHUNK)]], bufs[b], gsems[b])

        def start_write(c, b):
            off = pl.multiple_of(c * _CHUNK, _CHUNK)
            pltpu.async_copy(
                bufs[b], out_hbm.at[pl.ds(base + off, _CHUNK)], wsems[b])

        def wait_gather(b):
            pltpu.make_async_copy(p_hbm.at[idx_v.at[pl.ds(0, _CHUNK)]],
                                  bufs[b], gsems[b]).wait()

        def wait_write(b):
            pltpu.make_async_copy(bufs[b], out_hbm.at[pl.ds(0, _CHUNK)],
                                  wsems[b]).wait()

        start_gather(0, 0)
        start_gather(1, 1)
        n_pairs = n_chunks // 2

        def pair(j, carry):
            c = j * 2
            for b in range(2):
                wait_gather(b)
                start_write(c + b, b)
            for b in range(2):
                nxt = c + 2 + b
                @pl.when(nxt < n_chunks)
                def _():
                    wait_write(b)
                    start_gather(nxt, b)
            return carry

        lax.fori_loop(0, n_pairs, pair, 0)
        if n_chunks % 2:
            wait_gather(0)
            start_write(n_chunks - 1, 0)
        wait_write(0)
        wait_write(1)

    return gather(ids, p)


def kernel(input_ids, embed_table, head_w):
    b, t = input_ids.shape
    p = _head_table(embed_table, head_w)
    ids = input_ids.reshape(-1).astype(jnp.int32)
    out = _gather_rows(ids, p, b * t)
    return out.reshape(b, t, _VOCAB)

# --- scband reference (transcript-rebuilt; emitter-appended) ---
"""Pipeline reference for scband-mock-model-7206955123062 (READ-ONLY COPY).

The authoritative reference and input builder live on the scoring server;
editing this copy changes nothing except your own understanding.
"""

import jax, jax.numpy as jnp
import numpy as np

VOCAB = 1000
D_MODEL = 64
BATCH = 1024
SEQ = 50

def setup_inputs(seed: int = 0) -> dict:
    key = jax.random.key(seed)
    k1, k2, k3 = jax.random.split(key, 3)
    input_ids = jax.random.randint(k1, (BATCH, SEQ), 0, VOCAB, dtype=jnp.int64 if jax.config.jax_enable_x64 else jnp.int32)
    # learned params: embedding table and linear head weight (torch Linear weight is [out, in] = [vocab, d_model])
    embed_table = jax.random.normal(k2, (VOCAB, D_MODEL), dtype=jnp.float32)
    head_w = jax.random.normal(k3, (VOCAB, D_MODEL), dtype=jnp.float32) * (1.0 / np.sqrt(D_MODEL))
    return {"input_ids": input_ids, "embed_table": embed_table, "head_w": head_w}

def reference(input_ids, embed_table, head_w):
    # embedding lookup -> gather rows
    x = jnp.take(embed_table, input_ids, axis=0)  # [B, T, d_model]
    # linear head without bias: x @ W^T -> [B, T, vocab]
    logits = jnp.einsum('btd,vd->btv', x, head_w)
    return logits

if __name__ == "__main__":
    import jax
    _d = setup_inputs()
    print(jax.jit(kernel)(*tuple(_d.values())))

</pallas_src>

<mosaic_0001>
#map = affine_map<(d0, d1) -> (0)>
#map1 = affine_map<(d0, d1) -> (0, 0)>
module attributes {stable_mosaic.version = 14 : i64} {
  func.func @gather(%arg0: i32, %arg1: i32, %arg2: memref<51200xi32, #tpu.memory_space<hbm>>, %arg3: memref<1000x1000xf32, #tpu.memory_space<hbm>>, %arg4: memref<51200x1000xf32, #tpu.memory_space<hbm>>, %arg5: memref<1600xi32, #tpu.memory_space<vmem>>, %arg6: memref<64x1000xf32, #tpu.memory_space<vmem>>, %arg7: memref<64x1000xf32, #tpu.memory_space<vmem>>, %arg8: memref<!tpu.dma_semaphore, #tpu.memory_space<semaphore_mem>>, %arg9: memref<!tpu.dma_semaphore, #tpu.memory_space<semaphore_mem>>, %arg10: memref<!tpu.dma_semaphore, #tpu.memory_space<semaphore_mem>>, %arg11: memref<!tpu.dma_semaphore, #tpu.memory_space<semaphore_mem>>) attributes {dimension_semantics = [#tpu.dimension_semantics<core_parallel>, #tpu.dimension_semantics<subcore_parallel>], iteration_bounds = array<i64: 2, 16>, scalar_prefetch = 0 : i64, scratch_operands = 7 : i64, tpu.core_type = #tpu.core_type<sc_vector_subcore>, window_params = [{transform_indices = #map}, {transform_indices = #map1}, {transform_indices = #map1}]} {
    %mul3A = arith.constant 2 : i32
    %mul3A_0 = arith.muli %arg1, %mul3A : i32
    %add3A = arith.addi %mul3A_0, %arg0 : i32
    %mul3A_1 = arith.constant 1600 : i32
    %mul3A_2 = arith.muli %add3A, %mul3A_1 : i32
    "tpu.region"() ({
      %run_scoped3A = tpu.sem_alloc : memref<!tpu.dma_semaphore, #tpu.memory_space<semaphore_mem>>
      %dma_start3A_41 = tpu.memref_slice %arg2[%mul3A_2] : memref<51200xi32, #tpu.memory_space<hbm>> -> memref<1600xi32, #tpu.memory_space<hbm>>
      %dma_start3A_42 = tpu.memref_slice %arg2[%mul3A_2] : memref<51200xi32, #tpu.memory_space<hbm>> -> memref<1600xi32, #tpu.memory_space<hbm>>
      tpu.enqueue_dma source(%dma_start3A_42 : memref<1600xi32, #tpu.memory_space<hbm>>) target(%arg5 : memref<1600xi32, #tpu.memory_space<vmem>>) target_semaphore(%run_scoped3A : memref<!tpu.dma_semaphore, #tpu.memory_space<semaphore_mem>>)
      %dma_wait3A_43 = tpu.memref_slice %arg2[%mul3A_2] : memref<51200xi32, #tpu.memory_space<hbm>> -> memref<1600xi32, #tpu.memory_space<hbm>>
      %dma_wait3A_44 = tpu.memref_slice %arg2[%mul3A_2] : memref<51200xi32, #tpu.memory_space<hbm>> -> memref<1600xi32, #tpu.memory_space<hbm>>
      tpu.wait_dma2 semaphore(%run_scoped3A : memref<!tpu.dma_semaphore, #tpu.memory_space<semaphore_mem>>) src(%dma_wait3A_44 : memref<1600xi32, #tpu.memory_space<hbm>>) dst(%arg5 : memref<1600xi32, #tpu.memory_space<vmem>>)
      tpu.yield
    }) : () -> ()
    %multiple_of3A = arith.constant 0 : i32
    %multiple_of3A_3 = tpu.assume_multiple %multiple_of3A, 64 : i32
    %dma_start3A = tpu.memref_slice %arg5[%multiple_of3A_3] : memref<1600xi32, #tpu.memory_space<vmem>> -> memref<64xi32, #tpu.memory_space<vmem>>
    %dma_start3A_4 = arith.constant 0 : i32
    %dma_start3A_5 = arith.constant 0 : i32
    %dma_start3A_6 = tpu.memref_slice %arg3[%dma_start3A_4, %dma_start3A_5] : memref<1000x1000xf32, #tpu.memory_space<hbm>> -> memref<1000x1000xf32, #tpu.memory_space<hbm>>
    tpu.enqueue_indirect_dma source(%dma_start3A_6 : memref<1000x1000xf32, #tpu.memory_space<hbm>>) target(%arg6 : memref<64x1000xf32, #tpu.memory_space<vmem>>) offsets(%dma_start3A : memref<64xi32, #tpu.memory_space<vmem>>) semaphore(%arg8 : memref<!tpu.dma_semaphore, #tpu.memory_space<semaphore_mem>>)
    %multiple_of3A_7 = arith.constant 64 : i32
    %multiple_of3A_8 = tpu.assume_multiple %multiple_of3A_7, 64 : i32
    %dma_start3A_9 = tpu.memref_slice %arg5[%multiple_of3A_8] : memref<1600xi32, #tpu.memory_space<vmem>> -> memref<64xi32, #tpu.memory_space<vmem>>
    %dma_start3A_10 = arith.constant 0 : i32
    %dma_start3A_11 = arith.constant 0 : i32
    %dma_start3A_12 = tpu.memref_slice %arg3[%dma_start3A_10, %dma_start3A_11] : memref<1000x1000xf32, #tpu.memory_space<hbm>> -> memref<1000x1000xf32, #tpu.memory_space<hbm>>
    tpu.enqueue_indirect_dma source(%dma_start3A_12 : memref<1000x1000xf32, #tpu.memory_space<hbm>>) target(%arg7 : memref<64x1000xf32, #tpu.memory_space<vmem>>) offsets(%dma_start3A_9 : memref<64xi32, #tpu.memory_space<vmem>>) semaphore(%arg9 : memref<!tpu.dma_semaphore, #tpu.memory_space<semaphore_mem>>)
    %scan3A = arith.constant 0 : i32
    %scan3A_13 = arith.constant 0 : i32
    %scan3A_14 = arith.constant 12 : i32
    %scan3A_15 = arith.addi %scan3A_13, %scan3A_14 : i32
    %scan3A_16 = arith.constant 1 : i32
    scf.for %scan3A_41 = %scan3A_13 to %scan3A_15 step %scan3A_16  : i32 {
      %mul3A_42 = arith.constant 2 : i32
      %mul3A_43 = arith.muli %scan3A_41, %mul3A_42 : i32
      %dma_wait3A_44 = arith.constant 0 : i32
      %dma_wait3A_45 = tpu.memref_slice %arg5[%dma_wait3A_44] : memref<1600xi32, #tpu.memory_space<vmem>> -> memref<64xi32, #tpu.memory_space<vmem>>
      %dma_wait3A_46 = arith.constant 0 : i32
      %dma_wait3A_47 = arith.constant 0 : i32
      %dma_wait3A_48 = tpu.memref_slice %arg3[%dma_wait3A_46, %dma_wait3A_47] : memref<1000x1000xf32, #tpu.memory_space<hbm>> -> memref<1000x1000xf32, #tpu.memory_space<hbm>>
      tpu.wait_indirect_dma semaphore(%arg8 : memref<!tpu.dma_semaphore, #tpu.memory_space<semaphore_mem>>) src(%dma_wait3A_48 : memref<1000x1000xf32, #tpu.memory_space<hbm>>) dst(%arg6 : memref<64x1000xf32, #tpu.memory_space<vmem>>)
      %add3A_49 = arith.constant 0 : i32
      %add3A_50 = arith.addi %mul3A_43, %add3A_49 : i32
      %mul3A_51 = arith.constant 64 : i32
      %mul3A_52 = arith.muli %add3A_50, %mul3A_51 : i32
      %multiple_of3A_53 = tpu.assume_multiple %mul3A_52, 64 : i32
      %add3A_54 = arith.addi %mul3A_2, %multiple_of3A_53 : i32
      %dma_start3A_55 = arith.constant 0 : i32
      %dma_start3A_56 = tpu.memref_slice %arg4[%add3A_54, %dma_start3A_55] : memref<51200x1000xf32, #tpu.memory_space<hbm>> -> memref<64x1000xf32, #tpu.memory_space<hbm>>
      %dma_start3A_57 = arith.constant 0 : i32
      %dma_start3A_58 = tpu.memref_slice %arg4[%add3A_54, %dma_start3A_57] : memref<51200x1000xf32, #tpu.memory_space<hbm>> -> memref<64x1000xf32, #tpu.memory_space<hbm>>
      tpu.enqueue_dma source(%arg6 : memref<64x1000xf32, #tpu.memory_space<vmem>>) target(%dma_start3A_58 : memref<64x1000xf32, #tpu.memory_space<hbm>>) target_semaphore(%arg10 : memref<!tpu.dma_semaphore, #tpu.memory_space<semaphore_mem>>)
      %dma_wait3A_59 = arith.constant 0 : i32
      %dma_wait3A_60 = tpu.memref_slice %arg5[%dma_wait3A_59] : memref<1600xi32, #tpu.memory_space<vmem>> -> memref<64xi32, #tpu.memory_space<vmem>>
      %dma_wait3A_61 = arith.constant 0 : i32
      %dma_wait3A_62 = arith.constant 0 : i32
      %dma_wait3A_63 = tpu.memref_slice %arg3[%dma_wait3A_61, %dma_wait3A_62] : memref<1000x1000xf32, #tpu.memory_space<hbm>> -> memref<1000x1000xf32, #tpu.memory_space<hbm>>
      tpu.wait_indirect_dma semaphore(%arg9 : memref<!tpu.dma_semaphore, #tpu.memory_space<semaphore_mem>>) src(%dma_wait3A_63 : memref<1000x1000xf32, #tpu.memory_space<hbm>>) dst(%arg7 : memref<64x1000xf32, #tpu.memory_space<vmem>>)
      %add3A_64 = arith.constant 1 : i32
      %add3A_65 = arith.addi %mul3A_43, %add3A_64 : i32
      %mul3A_66 = arith.constant 64 : i32
      %mul3A_67 = arith.muli %add3A_65, %mul3A_66 : i32
      %multiple_of3A_68 = tpu.assume_multiple %mul3A_67, 64 : i32
      %add3A_69 = arith.addi %mul3A_2, %multiple_of3A_68 : i32
      %dma_start3A_70 = arith.constant 0 : i32
      %dma_start3A_71 = tpu.memref_slice %arg4[%add3A_69, %dma_start3A_70] : memref<51200x1000xf32, #tpu.memory_space<hbm>> -> memref<64x1000xf32, #tpu.memory_space<hbm>>
      %dma_start3A_72 = arith.constant 0 : i32
      %dma_start3A_73 = tpu.memref_slice %arg4[%add3A_69, %dma_start3A_72] : memref<51200x1000xf32, #tpu.memory_space<hbm>> -> memref<64x1000xf32, #tpu.memory_space<hbm>>
      tpu.enqueue_dma source(%arg7 : memref<64x1000xf32, #tpu.memory_space<vmem>>) target(%dma_start3A_73 : memref<64x1000xf32, #tpu.memory_space<hbm>>) target_semaphore(%arg11 : memref<!tpu.dma_semaphore, #tpu.memory_space<semaphore_mem>>)
      %add3A_74 = arith.constant 2 : i32
      %add3A_75 = arith.addi %mul3A_43, %add3A_74 : i32
      %add3A_76 = arith.constant 0 : i32
      %add3A_77 = arith.addi %add3A_75, %add3A_76 : i32
      %lt3A = arith.constant 25 : i32
      %lt3A_78 = arith.cmpi slt, %add3A_77, %lt3A : i32
      %convert_element_type3A = arith.extui %lt3A_78 : i1 to i32
      %cond3A = arith.constant 0 : i32
      %cond3A_79 = arith.cmpi ne, %convert_element_type3A, %cond3A : i32
      scf.if %cond3A_79 {
        %dma_wait3A_89 = arith.constant 0 : i32
        %dma_wait3A_90 = arith.constant 0 : i32
        %dma_wait3A_91 = tpu.memref_slice %arg4[%dma_wait3A_89, %dma_wait3A_90] : memref<51200x1000xf32, #tpu.memory_space<hbm>> -> memref<64x1000xf32, #tpu.memory_space<hbm>>
        %dma_wait3A_92 = arith.constant 0 : i32
        %dma_wait3A_93 = arith.constant 0 : i32
        %dma_wait3A_94 = tpu.memref_slice %arg4[%dma_wait3A_92, %dma_wait3A_93] : memref<51200x1000xf32, #tpu.memory_space<hbm>> -> memref<64x1000xf32, #tpu.memory_space<hbm>>
        tpu.wait_dma2 semaphore(%arg10 : memref<!tpu.dma_semaphore, #tpu.memory_space<semaphore_mem>>) src(%arg6 : memref<64x1000xf32, #tpu.memory_space<vmem>>) dst(%dma_wait3A_94 : memref<64x1000xf32, #tpu.memory_space<hbm>>)
        %mul3A_95 = arith.constant 64 : i32
        %mul3A_96 = arith.muli %add3A_77, %mul3A_95 : i32
        %multiple_of3A_97 = tpu.assume_multiple %mul3A_96, 64 : i32
        %dma_start3A_98 = tpu.memref_slice %arg5[%multiple_of3A_97] : memref<1600xi32, #tpu.memory_space<vmem>> -> memref<64xi32, #tpu.memory_space<vmem>>
        %dma_start3A_99 = arith.constant 0 : i32
        %dma_start3A_100 = arith.constant 0 : i32
        %dma_start3A_101 = tpu.memref_slice %arg3[%dma_start3A_99, %dma_start3A_100] : memref<1000x1000xf32, #tpu.memory_space<hbm>> -> memref<1000x1000xf32, #tpu.memory_space<hbm>>
        tpu.enqueue_indirect_dma source(%dma_start3A_101 : memref<1000x1000xf32, #tpu.memory_space<hbm>>) target(%arg6 : memref<64x1000xf32, #tpu.memory_space<vmem>>) offsets(%dma_start3A_98 : memref<64xi32, #tpu.memory_space<vmem>>) semaphore(%arg8 : memref<!tpu.dma_semaphore, #tpu.memory_space<semaphore_mem>>)
      } else {
      }
      %add3A_80 = arith.constant 2 : i32
      %add3A_81 = arith.addi %mul3A_43, %add3A_80 : i32
      %add3A_82 = arith.constant 1 : i32
      %add3A_83 = arith.addi %add3A_81, %add3A_82 : i32
      %lt3A_84 = arith.constant 25 : i32
      %lt3A_85 = arith.cmpi slt, %add3A_83, %lt3A_84 : i32
      %convert_element_type3A_86 = arith.extui %lt3A_85 : i1 to i32
      %cond3A_87 = arith.constant 0 : i32
      %cond3A_88 = arith.cmpi ne, %convert_element_type3A_86, %cond3A_87 : i32
      scf.if %cond3A_88 {
        %dma_wait3A_89 = arith.constant 0 : i32
        %dma_wait3A_90 = arith.constant 0 : i32
        %dma_wait3A_91 = tpu.memref_slice %arg4[%dma_wait3A_89, %dma_wait3A_90] : memref<51200x1000xf32, #tpu.memory_space<hbm>> -> memref<64x1000xf32, #tpu.memory_space<hbm>>
        %dma_wait3A_92 = arith.constant 0 : i32
        %dma_wait3A_93 = arith.constant 0 : i32
        %dma_wait3A_94 = tpu.memref_slice %arg4[%dma_wait3A_92, %dma_wait3A_93] : memref<51200x1000xf32, #tpu.memory_space<hbm>> -> memref<64x1000xf32, #tpu.memory_space<hbm>>
        tpu.wait_dma2 semaphore(%arg11 : memref<!tpu.dma_semaphore, #tpu.memory_space<semaphore_mem>>) src(%arg7 : memref<64x1000xf32, #tpu.memory_space<vmem>>) dst(%dma_wait3A_94 : memref<64x1000xf32, #tpu.memory_space<hbm>>)
        %mul3A_95 = arith.constant 64 : i32
        %mul3A_96 = arith.muli %add3A_83, %mul3A_95 : i32
        %multiple_of3A_97 = tpu.assume_multiple %mul3A_96, 64 : i32
        %dma_start3A_98 = tpu.memref_slice %arg5[%multiple_of3A_97] : memref<1600xi32, #tpu.memory_space<vmem>> -> memref<64xi32, #tpu.memory_space<vmem>>
        %dma_start3A_99 = arith.constant 0 : i32
        %dma_start3A_100 = arith.constant 0 : i32
        %dma_start3A_101 = tpu.memref_slice %arg3[%dma_start3A_99, %dma_start3A_100] : memref<1000x1000xf32, #tpu.memory_space<hbm>> -> memref<1000x1000xf32, #tpu.memory_space<hbm>>
        tpu.enqueue_indirect_dma source(%dma_start3A_101 : memref<1000x1000xf32, #tpu.memory_space<hbm>>) target(%arg7 : memref<64x1000xf32, #tpu.memory_space<vmem>>) offsets(%dma_start3A_98 : memref<64xi32, #tpu.memory_space<vmem>>) semaphore(%arg9 : memref<!tpu.dma_semaphore, #tpu.memory_space<semaphore_mem>>)
      } else {
      }
    }
    %scan3A_17 = arith.constant 12 : i32
    %dma_wait3A = arith.constant 0 : i32
    %dma_wait3A_18 = tpu.memref_slice %arg5[%dma_wait3A] : memref<1600xi32, #tpu.memory_space<vmem>> -> memref<64xi32, #tpu.memory_space<vmem>>
    %dma_wait3A_19 = arith.constant 0 : i32
    %dma_wait3A_20 = arith.constant 0 : i32
    %dma_wait3A_21 = tpu.memref_slice %arg3[%dma_wait3A_19, %dma_wait3A_20] : memref<1000x1000xf32, #tpu.memory_space<hbm>> -> memref<1000x1000xf32, #tpu.memory_space<hbm>>
    tpu.wait_indirect_dma semaphore(%arg8 : memref<!tpu.dma_semaphore, #tpu.memory_space<semaphore_mem>>) src(%dma_wait3A_21 : memref<1000x1000xf32, #tpu.memory_space<hbm>>) dst(%arg6 : memref<64x1000xf32, #tpu.memory_space<vmem>>)
    %multiple_of3A_22 = arith.constant 1536 : i32
    %multiple_of3A_23 = tpu.assume_multiple %multiple_of3A_22, 64 : i32
    %add3A_24 = arith.addi %mul3A_2, %multiple_of3A_23 : i32
    %dma_start3A_25 = arith.constant 0 : i32
    %dma_start3A_26 = tpu.memref_slice %arg4[%add3A_24, %dma_start3A_25] : memref<51200x1000xf32, #tpu.memory_space<hbm>> -> memref<64x1000xf32, #tpu.memory_space<hbm>>
    %dma_start3A_27 = arith.constant 0 : i32
    %dma_start3A_28 = tpu.memref_slice %arg4[%add3A_24, %dma_start3A_27] : memref<51200x1000xf32, #tpu.memory_space<hbm>> -> memref<64x1000xf32, #tpu.memory_space<hbm>>
    tpu.enqueue_dma source(%arg6 : memref<64x1000xf32, #tpu.memory_space<vmem>>) target(%dma_start3A_28 : memref<64x1000xf32, #tpu.memory_space<hbm>>) target_semaphore(%arg10 : memref<!tpu.dma_semaphore, #tpu.memory_space<semaphore_mem>>)
    %dma_wait3A_29 = arith.constant 0 : i32
    %dma_wait3A_30 = arith.constant 0 : i32
    %dma_wait3A_31 = tpu.memref_slice %arg4[%dma_wait3A_29, %dma_wait3A_30] : memref<51200x1000xf32, #tpu.memory_space<hbm>> -> memref<64x1000xf32, #tpu.memory_space<hbm>>
    %dma_wait3A_32 = arith.constant 0 : i32
    %dma_wait3A_33 = arith.constant 0 : i32
    %dma_wait3A_34 = tpu.memref_slice %arg4[%dma_wait3A_32, %dma_wait3A_33] : memref<51200x1000xf32, #tpu.memory_space<hbm>> -> memref<64x1000xf32, #tpu.memory_space<hbm>>
    tpu.wait_dma2 semaphore(%arg10 : memref<!tpu.dma_semaphore, #tpu.memory_space<semaphore_mem>>) src(%arg6 : memref<64x1000xf32, #tpu.memory_space<vmem>>) dst(%dma_wait3A_34 : memref<64x1000xf32, #tpu.memory_space<hbm>>)
    %dma_wait3A_35 = arith.constant 0 : i32
    %dma_wait3A_36 = arith.constant 0 : i32
    %dma_wait3A_37 = tpu.memref_slice %arg4[%dma_wait3A_35, %dma_wait3A_36] : memref<51200x1000xf32, #tpu.memory_space<hbm>> -> memref<64x1000xf32, #tpu.memory_space<hbm>>
    %dma_wait3A_38 = arith.constant 0 : i32
    %dma_wait3A_39 = arith.constant 0 : i32
    %dma_wait3A_40 = tpu.memref_slice %arg4[%dma_wait3A_38, %dma_wait3A_39] : memref<51200x1000xf32, #tpu.memory_space<hbm>> -> memref<64x1000xf32, #tpu.memory_space<hbm>>
    tpu.wait_dma2 semaphore(%arg11 : memref<!tpu.dma_semaphore, #tpu.memory_space<semaphore_mem>>) src(%arg7 : memref<64x1000xf32, #tpu.memory_space<vmem>>) dst(%dma_wait3A_40 : memref<64x1000xf32, #tpu.memory_space<hbm>>)
    return
  }
}

</mosaic_0001>

<sc_bundles>
// kernel: _gather_rows.3.cloned.1.call-start
scs
__scs_entry_jumppad:
0x0: {  	(pc) =	sbr.rel $0x88, $3  }
0x1: {  	(tag) =	ssettag $0x0;
	lr =	simm.s32 $0x1  }
0x2: {  	[smem:$0x3F9F] =	sst lr;
	_ =	strace $0xD0000000  }
0x3: {  	_ = 	snop  }
0x4: {  	_ = 	snop  }
0x5: {  	_ = 	snop  }
0x6: {  	_ = 	snop  }
0x7: {  	_ = 	snop  }
__scs_overlays_trampoline_lowered:
0x8: {  	[smem:$0x3FAE] =	sst s0  }
0x9: {  	[smem:$0x3FAF] =	sst s1  }
0xa: {  	[smem:$0x3FB0] =	sst s2  }
0xb: {  	[smem:$0x3FB1] =	sst s3  }
0xc: {  	[smem:$0x3FB2] =	sst s4  }
0xd: {  	[smem:$0x3FB3] =	sst s5  }
0xe: {  	[smem:$0x3FB4] =	sst s6  }
0xf: {  	[smem:$0x3FB5] =	sst s7  }
0x10: {  	[smem:$0x3FB6] =	sst s8  }
0x11: {  	[smem:$0x3FB7] =	sst s9;
	s0 =	simm.s32 @!p0 $0x0  }
0x12: {  	s1 =	sld [smem:$0x3F9D];
	s0 =	simm.s32 @p0 $0x1  }
0x13: {  	[smem:$0x3FB8] =	sst s0;
	s0 =	simm.s32 @!p1 $0x0  }
0x14: {  	s2 =	sld [smem:$0x3F9C];
	s0 =	simm.s32 @p1 $0x1  }
0x15: {  	[smem:$0x3FB9] =	sst s0;
	s0 =	simm.s32 @!p2 $0x0  }
0x16: {  	s3 =	sld [smem:$0x3FDB];
	s0 =	simm.s32 @p2 $0x1  }
0x17: {  	s4 =	simm.s32 $0x1BF5;
	[smem:$0x3FBB] =	sst s0  }
0x18: {  	s0 =	sld [smem:$0x3F9E];
	_ =	swait.ge [sflag:s4], $0x0  }
0x19: {  	s7 =	sld [smem:$0x3F9F]  }
0x1a: {  	s8 =	sadd.s32 $0xFFFFE003, lr  }
0x1b: {  	s9 =	sadd.s32 $0xFFFFFEF7, lr;
	s5 =	simm.s32 $0xFFFFFFFF;
	p2 =	slt.u32 s8, $0xFFFFF086  }
0x1c: {  	p1 =	slt.u32 s9, $0xF7A;
	s5 =	simm.s32 @!p2 $0x0  }
0x1d: {  	s5 =	simm.s32 @p1 $0x1;
	p0 =	seq.s32 s7, s2  }
0x1e: {  	s7 =	smul.u32 @!p0 $0xF7A, s2;
	p2 =	seq.s32 @!p0 s5, $0x0  }
0x1f: {  	s9 =	smul.u32 $0xF7A, s1;
	s8 =	simm.s32 @!p0 $0x1BF5;
	p2 =	por !p2, p0  }
0x20: {  	[sflag:s8] =	ssyncset.s32 @!p0 $0xFFFFF086;
	s6 =	sadd.s32 @!p0 s3, s7;
	s7 =	simm.s32 @!p0 $0x108  }
0x21: {  	s3 =	sadd.s32 s3, s9;
	s6 =	sadd.s32 @!p0 $0x88, s6;
	s7 =	simm.s32 @p2 $0x1082  }
0x22: {  	[simem:s7], [sflag:s8] =	dma.local @!p0 [hbm:s6], $0xF7A  }
0x23: {  	s9 =	sor.u32 $0xD0000000, s2;
	s6 =	simm.s32 $0x108;
	_ =	swait.ge @!p0 [sflag:s8], $0x0  }
0x24: {  	s3 =	sadd.s32 $0x88, s3;
	s6 =	simm.s32 @!p1 $0x1082;
	[sflag:s4] =	ssyncset.s32 $0xFFFFF086  }
0x25: {  	[simem:s6], [sflag:s4] =	dma.local [hbm:s3], $0xF7A  }
0x26: {  	[smem:$0x3F9F] =	sst s1;
	(tag) =	ssettag s2;
	_ =	strace s9  }
0x27: {  	s1 =	sld [smem:$0x3FAF]  }
0x28: {  	s2 =	sld [smem:$0x3FB0]  }
0x29: {  	s4 =	sld [smem:$0x3FB2]  }
0x2a: {  	p0 =	seq.s32 s5, $0x0;
	s5 =	sld [smem:$0x3FB3]  }
0x2b: {  	s6 =	sld [smem:$0x3FB4]  }
0x2c: {  	s7 =	sld [smem:$0x3FB5]  }
0x2d: {  	s3 =	simm.s32 $0x108;
	s8 =	sld [smem:$0x3FB6]  }
0x2e: {  	s3 =	simm.s32 @!p0 $0x1082;
	s9 =	sld [smem:$0x3FB7]  }
0x2f: {  	lr =	sadd.s32 s0, s3;
	s0 =	sld [smem:$0x3FAE]  }
0x30: {  	s3 =	sld [smem:$0x3FB1]  }
0x31: {  	[smem:$0x3FBA] =	sst s10  }
0x32: {  	s10 =	sld [smem:$0x3FB8];
	_ =	sdelay $0x3  }
0x33: {  	p0 =	seq.s32 s10, $0x1;
	s10 =	sld [smem:$0x3FBA];
	_ =	sdelay $0x3  }
0x34: {  	[smem:$0x3FBA] =	sst s10  }
0x35: {  	s10 =	sld [smem:$0x3FB9];
	_ =	sdelay $0x3  }
0x36: {  	p1 =	seq.s32 s10, $0x1;
	s10 =	sld [smem:$0x3FBA];
	_ =	sdelay $0x3  }
0x37: {  	[smem:$0x3FBA] =	sst s10  }
0x38: {  	s10 =	sld [smem:$0x3FBB]  }
0x39: {  	_ = 	snop;
	(pc) =	sbr.ind lr, $3  }
0x3a: {  	_ = 	snop  }
0x3b: {  	_ = 	snop  }
0x3c: {  	p2 =	seq.s32 s10, $0x1;
	s10 =	sld [smem:$0x3FBA]  }
0x3d: {  	_ =	shalt  }
0x3e: {  	_ =	shalt  }
0x3f: {  	_ =	shalt  }
0x40: {  	_ =	shalt  }
0x41: {  	_ =	shalt  }
0x42: {  	_ =	shalt  }
0x43: {  	_ =	shalt  }
0x44: {  	_ =	shalt  }
0x45: {  	_ =	shalt  }
0x46: {  	_ =	shalt  }
0x47: {  	_ =	shalt  }
0x48: {  	_ =	shalt  }
0x49: {  	_ =	shalt  }
0x4a: {  	_ =	shalt  }
0x4b: {  	_ =	shalt  }
0x4c: {  	_ =	shalt  }
0x4d: {  	_ =	shalt  }
0x4e: {  	_ =	shalt  }
0x4f: {  	_ =	shalt  }
0x50: {  	_ =	shalt  }
0x51: {  	_ =	shalt  }
0x52: {  	_ =	shalt  }
0x53: {  	_ =	shalt  }
0x54: {  	_ =	shalt  }
0x55: {  	_ =	shalt  }
0x56: {  	_ =	shalt  }
0x57: {  	_ =	shalt  }
0x58: {  	_ =	shalt  }
0x59: {  	_ =	shalt  }
0x5a: {  	_ =	shalt  }
0x5b: {  	_ =	shalt  }
0x5c: {  	_ =	shalt  }
0x5d: {  	_ =	shalt  }
0x5e: {  	_ =	shalt  }
0x5f: {  	_ =	shalt  }
0x60: {  	_ =	shalt  }
0x61: {  	_ =	shalt  }
0x62: {  	_ =	shalt  }
0x63: {  	_ =	shalt  }
0x64: {  	_ =	shalt  }
0x65: {  	_ =	shalt  }
0x66: {  	_ =	shalt  }
0x67: {  	_ =	shalt  }
0x68: {  	_ =	shalt  }
0x69: {  	_ =	shalt  }
0x6a: {  	_ =	shalt  }
0x6b: {  	_ =	shalt  }
0x6c: {  	_ =	shalt  }
0x6d: {  	_ =	shalt  }
0x6e: {  	_ =	shalt  }
0x6f: {  	_ =	shalt  }
0x70: {  	_ =	shalt  }
0x71: {  	_ =	shalt  }
0x72: {  	_ =	shalt  }
0x73: {  	_ =	shalt  }
0x74: {  	_ =	shalt  }
0x75: {  	_ =	shalt  }
0x76: {  	_ =	shalt  }
0x77: {  	_ =	shalt  }
0x78: {  	_ =	shalt  }
0x79: {  	_ =	shalt  }
0x7a: {  	_ =	shalt  }
0x7b: {  	_ =	shalt  }
0x7c: {  	_ =	shalt  }
0x7d: {  	_ =	shalt  }
0x7e: {  	_ =	shalt  }
0x7f: {  	_ =	shalt  }
0x80: {  	_ =	shalt  }
0x81: {  	_ =	shalt  }
0x82: {  	_ =	shalt  }
0x83: {  	_ =	shalt  }
0x84: {  	_ =	shalt  }
0x85: {  	_ =	shalt  }
0x86: {  	_ =	shalt  }
0x87: {  	_ =	shalt  }
.Lfunc_end0:
.L_simem_size_0:
called_computation.1_lowered:
.L_overlay_start_0:
0x88: {  	s2 =	sld [smem:$0x3FD9]  }
0x89: {  	s3 =	sld [smem:$0x3FFE];
	_ =	sdelay $0x1  }
0x8a: {  	s1 =	srdreg.scid  }
0x8b: {  	s0 =	sand.u32 $0x1, s1  }
0x8c: {  	s17 =	sshll.u32 s0, $0xA;
	s2 =	sadd.s32 s3, s2  }
0x8d: {  	s2 =	sadd.s32 s2, s17  }
0x8e: {  	[smem:$0x3FC6] =	sst s2  }
0x8f: {  	_ = 	snop  }
0x90: {  	s2 =	sld [smem:$0x3FC9]  }
0x91: {  	s18 =	sld [smem:$0x3FD0];
	(tm) =	ssettm $0x1  }
0x92: {  	s4 =	sld [smem:$0x3FFB];
	_ =	sdelay $0x3  }
0x93: {  	_ =	strace s4  }
0x94: {  	s4 =	sld [smem:$0x3FFC];
	_ =	sdelay $0x3  }
0x95: {  	_ =	strace s4  }
0x96: {  	s4 =	sld [smem:$0x3FFD];
	_ =	sdelay $0x3  }
0x97: {  	_ =	strace s4  }
0x98: {  	_ =	strace $0x8FFFFFFF  }
0x99: {  	s19 =	sld [smem:$0x3FDB];
	_ =	sdelay $0x1  }
0x9a: {  	s5 =	simm.s32 $_scs_section_size  }
0x9b: {  	s6 =	simm.s32 $_size__tile_overlayer_lowered;
	s7 =	simm.s32 $_tile_overlayer_lowered  }
0x9c: {  	s22 =	simm.s32 $0x1BFF;
	s21 =	sshll.u32 s7, $0x1;
	s4 =	sadd.s32 s5, s19  }
0x9d: {  	s8 =	simm.s32 $0x0;
	s20 =	sshll.u32 s6, $0x1;
	s6 =	sadd.s32 s21, s4  }
0x9e: {  	[timem:s8], [sflag:s22] =	dma.local [hbm:s6], s20  }
0x9f: {  	_ =	swait.ge [sflag:s22], s20  }
0xa0: {  	s5 =	ssub.s32 $0x0, s20;
	[sflag:s22] =	ssyncset.done $0x0  }
0xa1: {  	[sflag:s22] =	ssyncadd.s32 s5;
	_ =	sdelay $0x1  }
0xa2: {  	s23 =	simm.s32 $0x1B8B  }
0xa3: {  	_ =	swait.ge [sflag:s23], $0x1  }
0xa4: {  	[sflag:s23] =	ssyncset.done $0x0  }
0xa5: {  	s25 =	simm.s32 $0x1B8E;
	s24 =	sld [smem:$0x3FFE];
	[sflag:s23] =	ssyncadd.s32 $0xFFFFFFFF  }
0xa6: {  	s26 =	simm.s32 $execute0_lowered;
	[smem:$0x3FD2] =	sst s25  }
0xa7: {  	s6 =	sshll.u32 s26, $0x1;
	_ =	strace $0x80000046;
	[dreg:$0x1] =	wrdreg $0xFFFFFFFF  }
0xa8: {  	s28 =	simm.s32 $_size_execute0_lowered;
	s4 =	sadd.s32 s4, s6;
	[dreg:$0x0] =	wrdreg $0x0  }
0xa9: {  	s6 =	sshll.u32 s28, $0x1;
	[dreg:$0x2] =	wrdreg s4  }
0xaa: {  	[dreg:$0x3] =	wrdreg s6  }
0xab: {  	[dreg:$0x4] =	wrdreg $0xC0  }
0xac: {  	_ =	task [dreg:s8], $0x5FFFF  }
0xad: {  	[dreg:$0x1] =	wrdreg $0xFFFFFFFF  }
0xae: {  	[dreg:$0x0] =	wrdreg $0x60  }
0xaf: {  	[dreg:$0x2] =	wrdreg s2  }
0xb0: {  	[dreg:$0x3] =	wrdreg s24  }
0xb1: {  	[dreg:$0x4] =	wrdreg s18  }
0xb2: {  	[dreg:$0x5] =	wrdreg $0x9  }
0xb3: {  	_ =	task.clear_ibuf [dreg:s8], $0x6FFFF;
	_ =	strace $0x90000046  }
0xb4: {  	s29 =	simm.s32 $0x9;
	_ =	strace $0x80000048  }
0xb5: {  	_ =	swait.ge [sflag:s29], $0x1  }
0xb6: {  	[sflag:s29] =	ssyncadd.s32 $0xFFFFFFFF  }
0xb7: {  	_ =	strace $0x90000048  }
0xb8: {  	_ =	sfence  }
0xb9: {  	s30 =	sld [smem:$0x0];
	_ =	sdelay $0x2  }
0xba: {  	s31 =	sshll.u32 s1, $0xD;
	s1 =	sshrl.u32 s1, $0x2  }
0xbb: {  	s3 =	sand.u32 $0x4000, s31;
	s1 =	sadd.s32 s1, s30  }
0xbc: {  	s0 =	sor.u32 s3, s0;
	s1 =	sshll.u32 s1, $0x11  }
0xbd: {  	s0 =	sor.u32 s1, s0  }
0xbe: {  	s0 =	sadd.s32 $0x8F2B, s0  }
0xbf: {  	[sflag:s0] =	ssyncadd.remote.s32 $0x1  }
0xc0: {  	_ =	sfence.sel $0xFFFF  }
0xc1: {  	[dreg:$0x0] =	wrdreg $0xFFFFFFFF;
	(pc) =	sbr.abs _section_cstart, $3  }
0xc2: {  	[dreg:$0x1] =	wrdreg $0xFFFFFFFF  }
0xc3: {  	_ =	task.clear_ibuf [dreg:s8], $0x2FFFF;
	_ =	strace $0x9FFFFFFF  }
0xc4: {  	(tm) =	ssettm $0x7FFFFFFF  }
0xc5: {  	_ =	shalt  }
tec
execute0_lowered:
.L_overlay_start_1:
0x0: {  	(tag) =	ssettag $0x1  }
0x1: {  	s4 =	rddreg [dreg:$0x0]  }
0x2: {  	s3 =	rddreg [dreg:$0x1];
	s1 =	srdreg.scid  }
0x3: {  	s0 =	stileid.u32;
	s8 =	rddreg [dreg:$0x2];
	s12 =	simm.s32 $0x640  }
0x4: {  	s13 =	simm.s32 $0x10040;
	s14 =	simm.s32 $0x1;
	s15 =	simm.s32 $0x2  }
0x5: {  	s16 =	simm.s32 $0x3;
	s17 =	simm.s32 $0x4;
	s18 =	simm.s32 $0x600  }
0x6: {  	s6 =	sand.u32 $0x1, s1;
	s2 =	sshll.u32 s0, $0x1;
	s29 =	smul.u32 $0x61A80, s0  }
0x7: {  	s19 =	simm.s32 $0x0;
	s5 =	sor.u32 s6, s2;
	s31 =	smul.u32 $0x30D40, s6  }
0x8: {  	s1 =	rddreg [dreg:$0x3];
	s3 =	sadd.s32 $0x800, s3;
	s9 =	smul.u32 $0x640, s5  }
0x9: {  	s2 =	simm.s32 $0x0;
	s7 =	ssub.s32 $0x2, s6;
	s11 =	smul.u32 $0x186A00, s5  }
0xa: {  	[smem:$0x7FF] =	sst s2;
	s10 =	sshrl.u32 s7, $0x1;
	s26 =	smul.u32 $0x30D40, s5  }
0xb: {  	_ =	strace $0x80000047;
	s7 =	ssub.s32 s7, s10;
	s10 =	simm.s32 $0x5  }
0xc: {  	s9 =	sshrl.u32 s9, $0x3;
	s25 =	sshrl.u32 s11, $0x3;
	s30 =	sadd.s32 s8, s26  }
0xd: {  	s6 =	smax.u32 s7, $0x1;
	s11 =	simm.s32 $0x40;
	s4 =	sadd.s32 s4, s9  }
0xe: {  	s28 =	sadd.s32 s8, s25;
	s7 =	sadd.s32 $0x2AF80, s30;
	s9 =	sadd.s32 s29, s8  }
0xf: {  	s8 =	sadd.s32 $0x2CEC0, s30;
	s5 =	sadd.s32 $0x2EE00, s28;
	s9 =	sadd.s32 s31, s9  }
.LBB2_1:
0x10: {  	[tilespmem:s2], [sflag:$0x5] =	stream.linear.gather [hbm4b:s4+s2], $0x640, $0x38;
	[tilespmem:$0x1FA40] =	vst v63  }
0x11: {  	_ =	swait.ge [sflag:s10], $0x640  }
0x12: {  	[sflag:s10] =	ssyncset.done $0x0  }
0x13: {  	[sflag:s10] =	ssyncadd.s32 $0xFFFFF9C0  }
0x14: {  	[tilespmem:s12], [sflag:$0x1] =	stream.indirect.gather [hbm4b:s3+s11], $0x3E8, s2, s11, $0xb8;
	[tilespmem:$0x1FA40] =	vst v63  }
0x15: {  	_ = 	snop  }
0x16: {  	[tilespmem:s13], [sflag:$0x2] =	stream.indirect.gather [hbm4b:s3+s11], $0x3E8, s11, s11, $0xb8;
	[tilespmem:$0x1FA40] =	vst v63  }
0x17: {  	_ =	swait.ge [sflag:s14], $0xFA00  }
0x18: {  	[sflag:s14] =	ssyncset.done $0x0  }
0x19: {  	s20 =	sadd.s32 $0x0, s9;
	[sflag:s14] =	ssyncadd.s32 $0xFFFF0600  }
0x1a: {  	[hbm4b:s20+s2] =	stream.linear.scatter [tilespmem:s12], [sflag:$0x3], $0xFA00, $0x38;
	[tilespmem:$0x1FA40] =	vst v63  }
0x1b: {  	_ =	swait.ge [sflag:s15], $0xFA00  }
0x1c: {  	[sflag:s15] =	ssyncset.done $0x0  }
0x1d: {  	s20 =	sadd.s32 $0x1F40, s20;
	[sflag:s15] =	ssyncadd.s32 $0xFFFF0600  }
0x1e: {  	[hbm4b:s20+s2] =	stream.linear.scatter [tilespmem:s13], [sflag:$0x4], $0xFA00, $0x38;
	[tilespmem:$0x1FA40] =	vst v63  }
0x1f: {  	_ =	swait.ge [sflag:s16], $0xFA00  }
0x20: {  	[sflag:s16] =	ssyncset.done $0x0  }
0x21: {  	s31 =	simm.s32 $0x80;
	[sflag:s16] =	ssyncadd.s32 $0xFFFF0600  }
0x22: {  	[tilespmem:s12], [sflag:$0x1] =	stream.indirect.gather [hbm4b:s3+s11], $0x3E8, s31, s11, $0xb8;
	[tilespmem:$0x1FA40] =	vst v63  }
0x23: {  	_ =	swait.ge [sflag:s17], $0xFA00  }
0x24: {  	s21 =	simm.s32 $0x3E80;
	[sflag:s17] =	ssyncset.done $0x0  }
0x25: {  	s22 =	simm.s32 $0x140;
	s20 =	simm.s32 $0xC0;
	[sflag:s17] =	ssyncadd.s32 $0xFFFF0600  }
.LBB2_2:
0x26: {  	[tilespmem:s13], [sflag:$0x2] =	stream.indirect.gather [hbm4b:s3+s11], $0x3E8, s20, s11, $0xb8;
	[tilespmem:$0x1FA40] =	vst v63  }
0x27: {  	s23 =	smov.u32 s21;
	s20 =	smov.u32 s22  }
0x28: {  	p0 =	sne.s32 s21, $0x27100;
	s21 =	sadd.s32 $0x3E80, s21;
	_ =	swait.ge [sflag:s14], $0xFA00  }
0x29: {  	[sflag:s14] =	ssyncset.done $0x0  }
0x2a: {  	s23 =	sadd.s32 s23, s9;
	[sflag:s14] =	ssyncadd.s32 $0xFFFF0600  }
0x2b: {  	[hbm4b:s23+s2] =	stream.linear.scatter [tilespmem:s12], [sflag:$0x3], $0xFA00, $0x38;
	[tilespmem:$0x1FA40] =	vst v63  }
0x2c: {  	_ =	swait.ge [sflag:s15], $0xFA00  }
0x2d: {  	[sflag:s15] =	ssyncset.done $0x0  }
0x2e: {  	s23 =	sadd.s32 $0x1F40, s23;
	[sflag:s15] =	ssyncadd.s32 $0xFFFF0600  }
0x2f: {  	[hbm4b:s23+s2] =	stream.linear.scatter [tilespmem:s13], [sflag:$0x4], $0xFA00, $0x38;
	[tilespmem:$0x1FA40] =	vst v63  }
0x30: {  	_ =	swait.ge [sflag:s16], $0xFA00  }
0x31: {  	[sflag:s16] =	ssyncset.done $0x0  }
.Ltmp0:
0x32: {  	s23 =	sadd.s32 $0xFFFFFFC0, s22;
	[sflag:s16] =	ssyncadd.s32 $0xFFFF0600;
	(pc) =	sbr.rel @p0 .LBB2_2-.Ltmp0, $4  }
0x33: {  	[tilespmem:s12], [sflag:$0x1] =	stream.indirect.gather [hbm4b:s3+s11], $0x3E8, s23, s11, $0xb8;
	[tilespmem:$0x1FA40] =	vst v63  }
0x34: {  	_ =	swait.ge [sflag:s17], $0xFA00  }
0x35: {  	[sflag:s17] =	ssyncset.done $0x0  }
0x36: {  	s22 =	sadd.s32 $0x80, s22;
	[sflag:s17] =	ssyncadd.s32 $0xFFFF0600  }
0x37: {  	[tilespmem:s13], [sflag:$0x2] =	stream.indirect.gather [hbm4b:s3+s11], $0x3E8, s20, s11, $0xb8;
	[tilespmem:$0x1FA40] =	vst v63  }
0x38: {  	_ =	swait.ge [sflag:s14], $0xFA00  }
0x39: {  	[sflag:s14] =	ssyncset.done $0x0  }
0x3a: {  	[sflag:s14] =	ssyncadd.s32 $0xFFFF0600  }
0x3b: {  	[hbm4b:s7+s2] =	stream.linear.scatter [tilespmem:s12], [sflag:$0x3], $0xFA00, $0x38;
	[tilespmem:$0x1FA40] =	vst v63  }
0x3c: {  	_ =	swait.ge [sflag:s15], $0xFA00  }
0x3d: {  	[sflag:s15] =	ssyncset.done $0x0  }
0x3e: {  	[sflag:s15] =	ssyncadd.s32 $0xFFFF0600  }
0x3f: {  	[hbm4b:s8+s2] =	stream.linear.scatter [tilespmem:s13], [sflag:$0x4], $0xFA00, $0x38;
	[tilespmem:$0x1FA40] =	vst v63  }
0x40: {  	_ =	swait.ge [sflag:s16], $0xFA00  }
0x41: {  	[sflag:s16] =	ssyncset.done $0x0  }
0x42: {  	[sflag:s16] =	ssyncadd.s32 $0xFFFF0600  }
0x43: {  	[tilespmem:s12], [sflag:$0x1] =	stream.indirect.gather [hbm4b:s3+s11], $0x3E8, s18, s11, $0xb8;
	[tilespmem:$0x1FA40] =	vst v63  }
0x44: {  	_ =	swait.ge [sflag:s14], $0xFA00  }
0x45: {  	[sflag:s14] =	ssyncset.done $0x0  }
0x46: {  	s19 =	sadd.s32 $0x1, s19;
	[sflag:s14] =	ssyncadd.s32 $0xFFFF0600  }
0x47: {  	[hbm4b:s5+s2] =	stream.linear.scatter [tilespmem:s12], [sflag:$0x3], $0xFA00, $0x38;
	[tilespmem:$0x1FA40] =	vst v63  }
0x48: {  	p0 =	sne.s32 s19, s6;
	_ =	swait.ge [sflag:s16], $0xFA00  }
.Ltmp1:
0x49: {  	[sflag:s16] =	ssyncset.done $0x0;
	(pc) =	sbr.rel @p0 .LBB2_1-.Ltmp1, $4  }
0x4a: {  	[sflag:s16] =	ssyncadd.s32 $0xFFFF0600  }
0x4b: {  	_ =	swait.ge [sflag:s17], $0xFA00  }
0x4c: {  	[sflag:s17] =	ssyncset.done $0x0  }
0x4d: {  	[sflag:s17] =	ssyncadd.s32 $0xFFFF0600  }
0x4e: {  	_ =	sfence.sel $0x180000  }
0x4f: {  	[bflag:$0x0] =	sbarrier.arrive $0xFFFF  }
0x50: {  	p0 =	sne.s32 s0, $0x0;
	_ =	strace $0x90000047  }
0x51: {  	s0 =	sadd.s32 @!p0 $0x100000, s1;
	[bflag:$0x2] =	sbarrier.arrive $0xFFFF  }
0x52: {  	[sflag:s0] =	ssyncadd.tile.s32 @!p0 $0x1;
	_ =	shalt  }
.Lfunc_end2:
_tile_overlayer_lowered:
.L_overlay_start_2:
0x53: {  	(tag) =	ssettag $0x2  }
0x54: {  	s0 =	rddreg [dreg:$0x0];
	s2 =	stileid.u32  }
0x55: {  	s1 =	rddreg [dreg:$0x1];
	p0 =	sne.s32 s2, $0x0  }
0x56: {  	s3 =	rddreg [dreg:$0x2];
	[bflag:$0x3] =	sbarrier.arrive $0xFFFF;
	s2 =	simm.s32 @!p0 $0x1C05  }
0x57: {  	[timem:s3], [sflag:s2] =	dma.local @!p0 [hbm:s0], s1  }
0x58: {  	s0 =	simm.s32 @!p0 $0x5  }
0x59: {  	_ =	swait.ge @!p0 [sflag:s0], s1  }
0x5a: {  	s1 =	ssub.s32 @!p0 $0x0, s1;
	[sflag:s0] =	ssyncset.done @!p0 $0x0  }
0x5b: {  	[sflag:s0] =	ssyncadd.s32 @!p0 s1  }
0x5c: {  	[bflag:$0x3] =	sbarrier.arrive $0xFFFF  }
0x5d: {  	_ =	shalt  }

// kernel: sparse-core-data-format-call.cloned.1.call-start
scs
called_computation_lowered:
.L_overlay_start_0:
0x0: {  	s2 =	sld [smem:$0x3FD9]  }
0x1: {  	s3 =	sld [smem:$0x3FFE];
	_ =	sdelay $0x1  }
0x2: {  	s1 =	srdreg.scid  }
0x3: {  	s0 =	sand.u32 $0x1, s1  }
0x4: {  	s18 =	sshll.u32 s0, $0xA;
	s2 =	sadd.s32 s3, s2  }
0x5: {  	s2 =	sadd.s32 s2, s18  }
0x6: {  	[smem:$0x3FC6] =	sst s2  }
0x7: {  	_ = 	snop  }
0x8: {  	s2 =	sld [smem:$0x3FD0];
	(tm) =	ssettm $0x1  }
0x9: {  	s19 =	sld [smem:$0x3FFB];
	_ =	sdelay $0x3  }
0xa: {  	_ =	strace s19  }
0xb: {  	s3 =	sld [smem:$0x3FFC];
	_ =	sdelay $0x3  }
0xc: {  	_ =	strace s3  }
0xd: {  	s3 =	sld [smem:$0x3FFD];
	_ =	sdelay $0x3  }
0xe: {  	_ =	strace s3  }
0xf: {  	_ =	strace $0x8FFFFFFF  }
0x10: {  	s20 =	sld [smem:$0x3FDB];
	_ =	sdelay $0x1  }
0x11: {  	s4 =	simm.s32 $_scs_section_size  }
0x12: {  	s5 =	simm.s32 $_size__tile_overlayer_lowered;
	s6 =	simm.s32 $_tile_overlayer_lowered  }
0x13: {  	s23 =	simm.s32 $0x1BFF;
	s22 =	sshll.u32 s6, $0x1;
	s3 =	sadd.s32 s4, s20  }
0x14: {  	s7 =	simm.s32 $0x0;
	s21 =	sshll.u32 s5, $0x1;
	s5 =	sadd.s32 s22, s3  }
0x15: {  	[timem:s7], [sflag:s23] =	dma.local [hbm:s5], s21  }
0x16: {  	_ =	swait.ge [sflag:s23], s21  }
0x17: {  	s4 =	ssub.s32 $0x0, s21;
	[sflag:s23] =	ssyncset.done $0x0  }
0x18: {  	[sflag:s23] =	ssyncadd.s32 s4;
	_ =	sdelay $0x1  }
0x19: {  	s24 =	simm.s32 $0x1B8B  }
0x1a: {  	_ =	swait.ge [sflag:s24], $0x1  }
0x1b: {  	[sflag:s24] =	ssyncset.done $0x0  }
0x1c: {  	s26 =	simm.s32 $0x1B8E;
	s25 =	sld [smem:$0x3FFE];
	[sflag:s24] =	ssyncadd.s32 $0xFFFFFFFF  }
0x1d: {  	s27 =	simm.s32 $execute0_lowered;
	[smem:$0x3FD2] =	sst s26  }
0x1e: {  	s5 =	sshll.u32 s27, $0x1;
	_ =	strace $0x80000049;
	[dreg:$0x1] =	wrdreg $0xFFFFFFFF  }
0x1f: {  	s28 =	simm.s32 $_size_execute0_lowered;
	s3 =	sadd.s32 s3, s5;
	[dreg:$0x0] =	wrdreg $0x0  }
0x20: {  	s5 =	sshll.u32 s28, $0x1;
	[dreg:$0x2] =	wrdreg s3  }
0x21: {  	[dreg:$0x3] =	wrdreg s5  }
0x22: {  	[dreg:$0x4] =	wrdreg $0xC0  }
0x23: {  	_ =	task [dreg:s7], $0x5FFFF  }
0x24: {  	[dreg:$0x1] =	wrdreg $0xFFFFFFFF  }
0x25: {  	[dreg:$0x0] =	wrdreg $0x60  }
0x26: {  	[dreg:$0x2] =	wrdreg s25  }
0x27: {  	[dreg:$0x3] =	wrdreg s2  }
0x28: {  	[dreg:$0x4] =	wrdreg $0x9  }
0x29: {  	_ =	task.clear_ibuf [dreg:s7], $0x5FFFF;
	_ =	strace $0x90000049  }
0x2a: {  	s29 =	simm.s32 $0x9;
	_ =	strace $0x8000004B  }
0x2b: {  	_ =	swait.ge [sflag:s29], $0x1  }
0x2c: {  	[sflag:s29] =	ssyncadd.s32 $0xFFFFFFFF  }
0x2d: {  	_ =	strace $0x9000004B  }
0x2e: {  	_ =	sfence  }
0x2f: {  	s30 =	sld [smem:$0x0];
	_ =	sdelay $0x2  }
0x30: {  	s31 =	sshll.u32 s1, $0xD;
	s1 =	sshrl.u32 s1, $0x2  }
0x31: {  	s3 =	sand.u32 $0x4000, s31;
	s1 =	sadd.s32 s1, s30  }
0x32: {  	s0 =	sor.u32 s3, s0;
	s1 =	sshll.u32 s1, $0x11  }
0x33: {  	s0 =	sor.u32 s1, s0  }
0x34: {  	s0 =	sadd.s32 $0x8F2B, s0  }
0x35: {  	[sflag:s0] =	ssyncadd.remote.s32 $0x1  }
0x36: {  	_ =	sfence.sel $0xFFFF  }
0x37: {  	[dreg:$0x0] =	wrdreg $0xFFFFFFFF;
	(pc) =	sbr.abs _section_cstart, $3  }
0x38: {  	[dreg:$0x1] =	wrdreg $0xFFFFFFFF  }
0x39: {  	_ =	task.clear_ibuf [dreg:s7], $0x2FFFF;
	_ =	strace $0x9FFFFFFF  }
0x3a: {  	(tm) =	ssettm $0x7FFFFFFF  }
0x3b: {  	_ =	shalt  }
tec
execute0_lowered:
.L_overlay_start_1:
0x0: {  	(tag) =	ssettag $0x1  }
0x1: {  	s4 =	rddreg [dreg:$0x0]  }
0x2: {  	s2 =	rddreg [dreg:$0x1];
	s1 =	stileid.u32  }
0x3: {  	s3 =	srdreg.scid;
	s0 =	rddreg [dreg:$0x2];
	_ =	strace $0x8000004A  }
0x4: {  	s10 =	simm.s32 $0x2;
	s14 =	simm.s32 $0x0;
	s16 =	simm.s32 $0x0  }
0x5: {  	s12 =	simm.s32 $0x0;
	s15 =	simm.s32 $0x0;
	s3 =	sshll.u32 s3, $0x4  }
0x6: {  	s5 =	sshll.u32 s1, $0x7;
	s4 =	sadd.s32 $0x800, s4;
	s6 =	sand.u32 $0x10, s3  }
0x7: {  	s3 =	sand.u32 $0x180, s5;
	s5 =	simm.s32 $0x1;
	s8 =	sor.u32 s1, s6  }
0x8: {  	s31 =	ssub.s32 $0xC800, s3;
	[sflag:s5] =	ssyncpa.u1 $0x0;
	s13 =	smov.u32 s3  }
.Ltmp0:
0x9: {  	s7 =	sshll.u32 s8, $0x5;
	s9 =	sand.u32 $0x180, s31;
	(pc) =	sbr.rel .LBB1_1-.Ltmp0, $4  }
0xa: {  	s11 =	sshrl.u32 s31, $0x9;
	p0 =	sne.s32 s9, $0x0;
	s9 =	simm.s32 $0x1  }
0xb: {  	[sflag:s10] =	ssyncpa.u1 $0x0;
	s8 =	sshll.u32 s8, $0x8;
	s9 =	simm.s32 @!p0 $0x0  }
0xc: {  	s10 =	simm.s32 $0x64000;
	s6 =	sand.u32 $0x380, s7;
	s7 =	sadd.s32 s9, s11  }
0xd: {  	p0 =	por $0x0, $0x0;
	s11 =	simm.s32 $0x0;
	s9 =	sadd.s32 $0x1, s7  }
.LBB1_4:
0xe: {  	s22 =	sshrl.u32 s11, $0x3  }
0xf: {  	s23 =	sshll.u32 s12, $0x3;
	s24 =	sand.u32 $0x7F, s12;
	s22 =	smul.u32 $0x64000, s22  }
0x10: {  	v5 =	vld [tilespmem:s18+$0xFFFFFFD0];
	s21 =	sshra.s32 s21, $0x2;
	s25 =	sshra.s32 s12, $0x1F;
	s23 =	sand.u32 $0xFFFFFC00, s23  }
0x11: {  	[tilespmem:s20+$0x2040 ss:$0x81] =	vst.msk $0xffff, v4;
	v58 =	vld [tilespmem:s18+$0xFFFFFFE0];
	p1 =	sgt.s32 s12, $0xC780;
	s25 =	sand.u32 s25, s12;
	s22 =	sadd.s32 s23, s22  }
0x12: {  	[tilespmem:s20+$0x2850 ss:$0x81] =	vst.msk $0xffff, v3;
	v59 =	vld [tilespmem:s18+$0xFFFFFFF0];
	s23 =	sor.u32 s24, s22;
	s22 =	smulhi.u32 $0x51EB851F, s22;
	s24 =	smov.u32 s12  }
0x13: {  	[tilespmem:s20+$0x3060 ss:$0x81] =	vst.msk $0xffff, v2;
	v60 =	vld [tilespmem:s18+$0x0];
	s19 =	sadd.s32 s21, s19;
	s26 =	smulhi.u32 $0x51EB851F, s23;
	s24 =	simm.s32 @!p1 $0xC780  }
0x14: {  	[tilespmem:s20+$0x0 ss:$0x81] =	vst.msk $0xffff, v0;
	v61 =	vld [tilespmem:s18+$0x10];
	p1 =	sgt.s32 s11, $0x368;
	s28 =	sshrl.u32 s22, $0xE;
	s29 =	ssub.s32 s24, s25  }
0x15: {  	[tilespmem:s19+$0x3870 ss:$0x81] =	vst.msk $0xffff, v1;
	s30 =	sshrl.u32 s26, $0xE;
	s31 =	smulhi.u32 $0x418938, s28;
	s25 =	sadd.s32 $0xFFFF3880, s29  }
0x16: {  	v62 =	vld [tilespmem:s18+$0x20];
	[tilespmem:s19+$0x810 ss:$0x81] =	vst.msk $0xffff, v5;
	s22 =	smul.u32 $0xC800, s30;
	p2 =	sgt.s32 s25, $0x7F;
	s25 =	smov.u32 s11  }
0x17: {  	v63 =	vld [tilespmem:s18+$0xFFFFFFC0];
	[tilespmem:s19+$0x1020 ss:$0x81] =	vst.msk $0xffff, v58;
	s21 =	ssub.s32 $0xC800, s29;
	s25 =	simm.s32 @!p1 $0x368;
	s26 =	smul.u32 $0x3E8, s31  }
0x18: {  	[tilespmem:s19+$0x1830 ss:$0x81] =	vst.msk $0xffff, v59;
	s21 =	simm.s32 @p2 $0x0;
	s27 =	ssub.s32 $0x3E8, s25  }
0x19: {  	[tilespmem:s19+$0x2040 ss:$0x81] =	vst.msk $0xffff, v60;
	s22 =	ssub.s32 s23, s22;
	s18 =	ssub.s32 s28, s26;
	s28 =	smul.u32 s27, s21  }
0x1a: {  	[tilespmem:s19+$0x2850 ss:$0x81] =	vst.msk $0xffff, v61;
	s29 =	sshrl.u32 s22, $0x3;
	s22 =	sand.u32 $0x7, s22;
	s18 =	smul.u32 $0x1900, s18  }
0x1b: {  	[tilespmem:s19+$0x3060 ss:$0x81] =	vst.msk $0xffff, v62;
	s21 =	sadd.s32 s2, s29;
	s22 =	sshll.u32 s22, $0x12  }
0x1c: {  	[tilespmem:s19+$0x0 ss:$0x81] =	vst.msk $0xffff, v63;
	s30 =	sand.u32 $0x3FFFFFF8, s28;
	s31 =	sor.u32 $0x400, s22;
	s18 =	sadd.s32 s18, s21  }
0x1d: {  	[hbm4b:s18+s31] =	stream.strided.scatter [tilespmem:s17], [sflag:$0x2], s30, s10, s31, $0x20;
	[tilespmem:$0x10100] =	vst v63  }
.LBB1_5:
0x1e: {  	p1 =	slt.u32 s15, $0x2  }
0x1f: {  	p2 =	sgt.s32 @!p1 s16, $0xC780  }
0x20: {  	s17 =	smov.u32 s16;
	s18 =	sshra.s32 @!p1 s16, $0x1F;
	p2 =	por !p2, p1  }
0x21: {  	s16 =	sand.u32 @!p1 s18, s16;
	s17 =	simm.s32 @p2 $0xC780  }
0x22: {  	s16 =	ssub.s32 @!p1 s17, s16  }
0x23: {  	p2 =	sgt.s32 @!p1 s14, $0x368;
	s17 =	sadd.s32 @!p1 $0xFFFF3880, s16  }
0x24: {  	s18 =	sadd.s32 $0x200, s13;
	p2 =	por !p2, p1;
	p3 =	sgt.s32 @!p1 s17, $0x7F  }
0x25: {  	s14 =	simm.s32 @p2 $0x368;
	s16 =	ssub.s32 @!p1 $0xC800, s16;
	p2 =	por !p3, p1  }
0x26: {  	s14 =	ssub.s32 @!p1 $0x3E8, s14;
	s16 =	simm.s32 @!p2 $0x0;
	p2 =	sgt.s32 s18, $0xC7FF  }
0x27: {  	s14 =	smul.u32 @!p1 s14, s16;
	s18 =	smov.u32 @p2 s3;
	p2 =	sne.s32 s15, s9  }
.Ltmp1:
0x28: {  	s20 =	sadd.s32 $0x1, s15;
	p0 =	por !p0, !p0;
	(pc) =	sbr.rel @!p2 .LBB1_6-.Ltmp1, $4  }
0x29: {  	s17 =	simm.s32 @!p1 $0x2;
	s16 =	smov.u32 s12;
	s14 =	sand.u32 @!p1 $0x3FFFFFFF, s14  }
0x2a: {  	s12 =	smov.u32 s13;
	s15 =	smov.u32 s20;
	_ =	swait.ge @!p1 [sflag:s17], s14  }
0x2b: {  	s13 =	smov.u32 s18;
	s19 =	ssub.s32 @!p1 $0x0, s14;
	[sflag:s17] =	ssyncset.done @!p1 $0x0  }
0x2c: {  	s14 =	smov.u32 s11;
	s11 =	smov.u32 s6;
	[sflag:s17] =	ssyncadd.s32 @!p1 s19  }
.LBB1_1:
0x2d: {  	p1 =	sge.u32 s15, s7  }
0x2e: {  	s17 =	sshll.u32 @!p1 s13, $0xA  }
0x2f: {  	s17 =	sand.u32 @!p1 $0xFFFFE000, s17  }
0x30: {  	s17 =	sor.u32 @!p1 s8, s17  }
0x31: {  	s17 =	sshrl.u32 @!p1 s17, $0xA  }
0x32: {  	s18 =	smulhi.u32 @!p1 $0x28F5C3, s17;
	_ =	sdelay $0x1  }
0x33: {  	s18 =	sshrl.u32 @!p1 s18, $0x5  }
0x34: {  	s18 =	smul.u32 @!p1 $0xC800, s18  }
0x35: {  	s31 =	sadd.s32 $0xFFFFFFFF, s15;
	s19 =	sxor.u32 @!p1 $0xFFFFFFFF, s15;
	s20 =	sshll.u32 @!p1 s13, $0x4  }
0x36: {  	s19 =	sshll.u32 @!p1 s19, $0xE;
	s17 =	ssub.s32 @!p1 s17, s18;
	s18 =	sand.u32 @!p1 $0x70, s20  }
0x37: {  	s19 =	sand.u32 @!p1 $0x4000, s19;
	s17 =	sshll.u32 @!p1 s17, $0x7;
	s18 =	sadd.s32 @!p1 s4, s18  }
0x38: {  	s20 =	simm.s32 @!p1 $0x2000;
	s17 =	sadd.s32 @!p1 s17, s18;
	s18 =	simm.s32 @!p1 $0x400  }
0x39: {  	[tilespmem:s19], [sflag:$0x1] =	stream.strided.gather @!p1 [hbm4b:s17+s18], $0x4000, s20, s18, $0x38;
	[tilespmem:$0x10100] =	vst v63  }
0x3a: {  	p1 =	sge.u32 s31, s7  }
.Ltmp2:
0x3b: {  	_ = 	snop;
	(pc) =	sbr.rel @p1 .LBB1_5-.Ltmp2, $1  }
0x3c: {  	_ =	sdelay $0x3  }
0x3d: {  	s17 =	simm.s32 $0x1  }
0x3e: {  	_ =	swait.ge [sflag:s5], $0x4000;
	s17 =	simm.s32 @!p0 $0x0  }
0x3f: {  	[sflag:s5] =	ssyncset.done $0x0;
	s18 =	sshll.u32 s17, $0xE  }
0x40: {  	[sflag:s5] =	ssyncadd.s32 $0xFFFFC000;
	s18 =	sor.u32 $0x40, s18  }
0x41: {  	s17 =	smul.u32 $0x10200, s17;
	v0 =	vld [tilespmem:s18+$0x30]  }
0x42: {  	v1 =	vld [tilespmem:s18+$0xFFFFFFD0]  }
0x43: {  	s17 =	sshrl.u32 s17, $0x2;
	v5 =	vld [tilespmem:s18+$0xFFFFFFE0]  }
0x44: {  	v6 =	vld [tilespmem:s18+$0xFFFFFFF0];
	s19 =	sor.u32 $0x8000, s17  }
0x45: {  	s31 =	sand.u32 $0x1, s15;
	v4 =	vld [tilespmem:s18+$0x0];
	s20 =	sadd.s32 $0x0, s19  }
0x46: {  	v3 =	vld [tilespmem:s18+$0x10];
	s17 =	smul.u32 $0x10200, s31;
	[tilespmem:s20+$0x3870 ss:$0x81] =	vst.msk $0xffff, v0  }
0x47: {  	v2 =	vld [tilespmem:s18+$0x20];
	[tilespmem:s20+$0x810 ss:$0x81] =	vst.msk $0xffff, v1  }
0x48: {  	s17 =	sshrl.u32 s17, $0x2;
	v0 =	vld [tilespmem:s18+$0xFFFFFFC0];
	[tilespmem:s20+$0x1020 ss:$0x81] =	vst.msk $0xffff, v5;
	s18 =	sadd.s32 $0x80, s18  }
0x49: {  	s21 =	simm.s32 $0x4;
	s22 =	simm.s32 $0x8;
	s17 =	sor.u32 $0x8000, s17;
	[tilespmem:s20+$0x1830 ss:$0x81] =	vst.msk $0xffff, v6;
	v1 =	vld [tilespmem:s18+$0x30]  }
.LBB1_3:
0x4a: {  	p1 =	sne.s32 s22, $0x1FC;
	v5 =	vld [tilespmem:s18+$0xFFFFFFD0];
	[tilespmem:s20+$0x2040 ss:$0x81] =	vst.msk $0xffff, v4  }
0x4b: {  	v6 =	vld [tilespmem:s18+$0xFFFFFFE0];
	[tilespmem:s20+$0x2850 ss:$0x81] =	vst.msk $0xffff, v3  }
0x4c: {  	s23 =	sshra.s32 s21, $0x2;
	s21 =	smov.u32 s22;
	v7 =	vld [tilespmem:s18+$0xFFFFFFF0];
	[tilespmem:s20+$0x3060 ss:$0x81] =	vst.msk $0xffff, v2  }
.Ltmp3:
0x4d: {  	v4 =	vld [tilespmem:s18+$0x0];
	[tilespmem:s20+$0x0 ss:$0x81] =	vst.msk $0xffff, v0;
	s20 =	sadd.s32 s23, s19;
	(pc) =	sbr.rel @p1 .LBB1_3-.Ltmp3, $4  }
0x4e: {  	v3 =	vld [tilespmem:s18+$0x10];
	[tilespmem:s20+$0x3870 ss:$0x81] =	vst.msk $0xffff, v1  }
0x4f: {  	[tilespmem:s20+$0x810 ss:$0x81] =	vst.msk $0xffff, v5;
	v2 =	vld [tilespmem:s18+$0x20]  }
0x50: {  	v0 =	vld [tilespmem:s18+$0xFFFFFFC0];
	[tilespmem:s20+$0x1020 ss:$0x81] =	vst.msk $0xffff, v6;
	s18 =	sadd.s32 $0x80, s18  }
0x51: {  	s22 =	sadd.s32 $0x4, s22;
	v1 =	vld [tilespmem:s18+$0x30];
	[tilespmem:s20+$0x1830 ss:$0x81] =	vst.msk $0xffff, v7  }
.Ltmp4:
0x52: {  	_ = 	snop;
	(pc) =	sbr.rel .LBB1_4-.Ltmp4, $1  }
0x53: {  	_ =	sdelay $0x3  }
.LBB1_6:
0x54: {  	_ =	sfence.sel $0x180000  }
0x55: {  	s2 =	simm.s32 $0x1;
	[bflag:$0x0] =	sbarrier.arrive $0xFFFF  }
0x56: {  	s31 =	simm.s32 $0x2;
	[sflag:s2] =	ssyncpa.u1 $0x1  }
0x57: {  	[sflag:s31] =	ssyncpa.u1 $0x1  }
0x58: {  	p0 =	sne.s32 s1, $0x0;
	_ =	strace $0x9000004A  }
0x59: {  	s0 =	sadd.s32 @!p0 $0x100000, s0;
	[bflag:$0x2] =	sbarrier.arrive $0xFFFF  }
0x5a: {  	[sflag:s0] =	ssyncadd.tile.s32 @!p0 $0x1;
	_ =	shalt  }
.Lfunc_end1:
_tile_overlayer_lowered:
.L_overlay_start_2:
0x5b: {  	(tag) =	ssettag $0x2  }
0x5c: {  	s0 =	rddreg [dreg:$0x0];
	s2 =	stileid.u32  }
0x5d: {  	s1 =	rddreg [dreg:$0x1];
	p0 =	sne.s32 s2, $0x0  }
0x5e: {  	s3 =	rddreg [dreg:$0x2];
	[bflag:$0x3] =	sbarrier.arrive $0xFFFF;
	s2 =	simm.s32 @!p0 $0x1C01  }
0x5f: {  	[timem:s3], [sflag:s2] =	dma.local @!p0 [hbm:s0], s1  }
0x60: {  	s0 =	simm.s32 @!p0 $0x1  }
0x61: {  	_ =	swait.ge @!p0 [sflag:s0], s1  }
0x62: {  	s1 =	ssub.s32 @!p0 $0x0, s1;
	[sflag:s0] =	ssyncset.done @!p0 $0x0  }
0x63: {  	[sflag:s0] =	ssyncadd.s32 @!p0 s1  }
0x64: {  	[bflag:$0x3] =	sbarrier.arrive $0xFFFF  }
0x65: {  	_ =	shalt  }

</sc_bundles>
